<compile_context>
chip_gen: v7x
topology: tpu7x:2x2x1
jax: 0.10.2.dev20260603
libtpu: 0.0.44.dev20260713+nightly
codegen_flags: <defaults>
</compile_context>

<pallas_src>
import jax
import jax.numpy as jnp
from jax import lax
from jax.experimental import pallas as pl
from jax.experimental.pallas import tpu as pltpu
from jax.experimental.pallas import tpu_sc as plsc

N_NODES_K = 10000
N_EDGES_K = 320000
NC = 2
NS = 16
NW = NC * NS
LANES = 16
EPW = N_EDGES_K // NW
HPAD = 10000


def _p1_range(idx_v, cw_v, lo, hi):
  n = hi - lo

  def step(i):
    sl = pl.ds(i * LANES, LANES)
    v = idx_v[sl]
    cnt, last = plsc.scan_count(v)
    cw_v[sl] = jnp.where(last, cnt.astype(jnp.float32), 0.0)

  def body(i, carry):
    for j in range(5):
      step(lo + 5 * i + j)
    return carry

  lax.fori_loop(0, n // 5, body, 0)

  def tail(i, carry):
    step(lo + (n // 5) * 5 + i)
    return carry

  lax.fori_loop(0, n - (n // 5) * 5, tail, 0)


def _hist_body(recv_hbm, parts_hbm, idx_v, hist_v, cw_v, sem_i):
  c = lax.axis_index("c")
  s = lax.axis_index("s")
  wid = s * NC + c
  base = N_EDGES_K + wid * EPW

  idx_dma = pltpu.make_async_copy(recv_hbm.at[pl.ds(base, EPW)], idx_v, sem_i)
  idx_dma.start()

  zvec = jnp.zeros((LANES,), jnp.float32)

  def zero(i, carry):
    for j in range(8):
      hist_v[pl.ds((8 * i + j) * LANES, LANES)] = zvec
    return carry

  lax.fori_loop(0, HPAD // (8 * LANES), zero, 0)

  def zero_tail(i, carry):
    hist_v[pl.ds(((HPAD // (8 * LANES)) * 8 + i) * LANES, LANES)] = zvec
    return carry

  lax.fori_loop(0, HPAD // LANES - (HPAD // (8 * LANES)) * 8, zero_tail, 0)

  idx_dma.wait()
  _p1_range(idx_v, cw_v, 0, EPW // LANES)

  def p2_step(i):
    sl = pl.ds(i * LANES, LANES)
    v = idx_v[sl]
    mv = cw_v[sl]
    plsc.addupdate_scatter(hist_v, [v], mv, mask=mv > 0.5)

  def pass2(i, carry):
    for j in range(16):
      p2_step(16 * i + j)
    return carry

  lax.fori_loop(0, EPW // (16 * LANES), pass2, 0)

  def p2_tail(i, carry):
    p2_step((EPW // (16 * LANES)) * 16 + i)
    return carry

  lax.fori_loop(0, (EPW // LANES) - (EPW // (16 * LANES)) * 16, p2_tail, 0)

  pltpu.sync_copy(hist_v, parts_hbm.at[wid])


_hist = pl.kernel(
    _hist_body,
    out_type=jax.ShapeDtypeStruct((NW, HPAD), jnp.float32),
    mesh=plsc.VectorSubcoreMesh(
        core_axis_name="c", subcore_axis_name="s", num_cores=NC,
        num_subcores=NS),
    scratch_types=[
        pltpu.VMEM((EPW,), jnp.int32),
        pltpu.VMEM((HPAD,), jnp.float32),
        pltpu.VMEM((EPW,), jnp.float32),
        pltpu.SemaphoreType.DMA,
    ],
    compiler_params=pltpu.CompilerParams(needs_layout_passes=False),
)


def _merge_body(parts_ref, out_ref):
  out_ref[...] = jnp.sum(parts_ref[...], axis=0, keepdims=True)


_merge = pl.pallas_call(
    _merge_body,
    out_shape=jax.ShapeDtypeStruct((1, HPAD), jnp.float32),
)


@jax.jit
def kernel(x, edge_index):
  n = x.shape[0]
  parts = _hist(edge_index.astype(jnp.int32).reshape(-1))
  merged = _merge(parts)
  return merged.reshape(n, 1)

# --- scband reference (transcript-rebuilt; emitter-appended) ---
"""Pipeline reference for scband-node-connectivity-embedding-48137993454050 (READ-ONLY COPY).

The authoritative reference and input builder live on the scoring server;
editing this copy changes nothing except your own understanding.
"""

import jax, jax.numpy as jnp
import numpy as np

N_NODES = 10000
N_EDGES = 320000
D_FEAT = 128

def setup_inputs(seed: int = 0) -> dict:
    key = jax.random.key(seed)
    kx, ke = jax.random.split(key)
    x = jax.random.normal(kx, (N_NODES, D_FEAT), dtype=jnp.float32)
    edge_index = jax.random.randint(ke, (2, N_EDGES), 0, N_NODES, dtype=jnp.int64)
    return {"x": x, "edge_index": edge_index}

def reference(x, edge_index):
    # Faithful translation of torch forward:
    #   sender, receiver = edge_index
    #   uq_nodes, counts = torch.unique(receiver, return_counts=True)
    #   return counts.view(-1, 1).float()
    sender = edge_index[0]
    receiver = edge_index[1]
    counts = jnp.bincount(receiver, length=x.shape[0])
    return counts.reshape(-1, 1).astype(jnp.float32)

if __name__ == "__main__":
    import jax
    _d = setup_inputs()
    print(jax.jit(kernel)(*tuple(_d.values())))

</pallas_src>

<mosaic_0001>
#map = affine_map<(d0, d1) -> (0)>
#map1 = affine_map<(d0, d1) -> (0, 0)>
module attributes {stable_mosaic.version = 14 : i64} {
  func.func @_hist_body(%arg0: i32, %arg1: i32, %arg2: memref<640000xi32, #tpu.memory_space<hbm>>, %arg3: memref<32x10000xf32, #tpu.memory_space<hbm>>, %arg4: memref<10000xi32, #tpu.memory_space<vmem>>, %arg5: memref<10000xf32, #tpu.memory_space<vmem>>, %arg6: memref<10000xf32, #tpu.memory_space<vmem>>, %arg7: memref<!tpu.dma_semaphore, #tpu.memory_space<semaphore_mem>>) attributes {dimension_semantics = [#tpu.dimension_semantics<core_parallel>, #tpu.dimension_semantics<subcore_parallel>], iteration_bounds = array<i64: 2, 16>, scalar_prefetch = 0 : i64, scratch_operands = 4 : i64, tpu.core_type = #tpu.core_type<sc_vector_subcore>, window_params = [{transform_indices = #map}, {transform_indices = #map1}]} {
    %mul3A = arith.constant 2 : i32
    %mul3A_0 = arith.muli %arg1, %mul3A : i32
    %add3A = arith.addi %mul3A_0, %arg0 : i32
    %mul3A_1 = arith.constant 10000 : i32
    %mul3A_2 = arith.muli %add3A, %mul3A_1 : i32
    %add3A_3 = arith.constant 320000 : i32
    %add3A_4 = arith.addi %add3A_3, %mul3A_2 : i32
    %dma_start3A = tpu.memref_slice %arg2[%add3A_4] : memref<640000xi32, #tpu.memory_space<hbm>> -> memref<10000xi32, #tpu.memory_space<hbm>>
    %dma_start3A_5 = tpu.memref_slice %arg2[%add3A_4] : memref<640000xi32, #tpu.memory_space<hbm>> -> memref<10000xi32, #tpu.memory_space<hbm>>
    tpu.enqueue_dma source(%dma_start3A_5 : memref<10000xi32, #tpu.memory_space<hbm>>) target(%arg4 : memref<10000xi32, #tpu.memory_space<vmem>>) target_semaphore(%arg7 : memref<!tpu.dma_semaphore, #tpu.memory_space<semaphore_mem>>)
    %broadcast_in_dim3A = arith.constant 0.000000e+00 : f32
    %broadcast_in_dim3A_6 = vector.broadcast %broadcast_in_dim3A : f32 to vector<16xf32>
    %scan3A = arith.constant 0 : i32
    %scan3A_7 = arith.constant 0 : i32
    %scan3A_8 = arith.constant 78 : i32
    %scan3A_9 = arith.addi %scan3A_7, %scan3A_8 : i32
    %scan3A_10 = arith.constant 1 : i32
    scf.for %scan3A_50 = %scan3A_7 to %scan3A_9 step %scan3A_10  : i32 {
      %mul3A_51 = arith.constant 8 : i32
      %mul3A_52 = arith.muli %mul3A_51, %scan3A_50 : i32
      %add3A_53 = arith.constant 0 : i32
      %add3A_54 = arith.addi %mul3A_52, %add3A_53 : i32
      %mul3A_55 = arith.constant 16 : i32
      %mul3A_56 = arith.muli %add3A_54, %mul3A_55 : i32
      %swap3A_57 = arith.index_cast %mul3A_56 : i32 to index
      %swap3A_58 = tpu.vector_load %arg5[%swap3A_57] {strides = array<i32>} : memref<10000xf32, #tpu.memory_space<vmem>>, vector<16xf32>,
      tpu.vector_store %arg5[%swap3A_57], %broadcast_in_dim3A_6 {strides = array<i32>} : memref<10000xf32, #tpu.memory_space<vmem>>, vector<16xf32>,
      %mul3A_59 = arith.constant 8 : i32
      %mul3A_60 = arith.muli %mul3A_59, %scan3A_50 : i32
      %add3A_61 = arith.constant 1 : i32
      %add3A_62 = arith.addi %mul3A_60, %add3A_61 : i32
      %mul3A_63 = arith.constant 16 : i32
      %mul3A_64 = arith.muli %add3A_62, %mul3A_63 : i32
      %swap3A_65 = arith.index_cast %mul3A_64 : i32 to index
      %swap3A_66 = tpu.vector_load %arg5[%swap3A_65] {strides = array<i32>} : memref<10000xf32, #tpu.memory_space<vmem>>, vector<16xf32>,
      tpu.vector_store %arg5[%swap3A_65], %broadcast_in_dim3A_6 {strides = array<i32>} : memref<10000xf32, #tpu.memory_space<vmem>>, vector<16xf32>,
      %mul3A_67 = arith.constant 8 : i32
      %mul3A_68 = arith.muli %mul3A_67, %scan3A_50 : i32
      %add3A_69 = arith.constant 2 : i32
      %add3A_70 = arith.addi %mul3A_68, %add3A_69 : i32
      %mul3A_71 = arith.constant 16 : i32
      %mul3A_72 = arith.muli %add3A_70, %mul3A_71 : i32
      %swap3A_73 = arith.index_cast %mul3A_72 : i32 to index
      %swap3A_74 = tpu.vector_load %arg5[%swap3A_73] {strides = array<i32>} : memref<10000xf32, #tpu.memory_space<vmem>>, vector<16xf32>,
      tpu.vector_store %arg5[%swap3A_73], %broadcast_in_dim3A_6 {strides = array<i32>} : memref<10000xf32, #tpu.memory_space<vmem>>, vector<16xf32>,
      %mul3A_75 = arith.constant 8 : i32
      %mul3A_76 = arith.muli %mul3A_75, %scan3A_50 : i32
      %add3A_77 = arith.constant 3 : i32
      %add3A_78 = arith.addi %mul3A_76, %add3A_77 : i32
      %mul3A_79 = arith.constant 16 : i32
      %mul3A_80 = arith.muli %add3A_78, %mul3A_79 : i32
      %swap3A_81 = arith.index_cast %mul3A_80 : i32 to index
      %swap3A_82 = tpu.vector_load %arg5[%swap3A_81] {strides = array<i32>} : memref<10000xf32, #tpu.memory_space<vmem>>, vector<16xf32>,
      tpu.vector_store %arg5[%swap3A_81], %broadcast_in_dim3A_6 {strides = array<i32>} : memref<10000xf32, #tpu.memory_space<vmem>>, vector<16xf32>,
      %mul3A_83 = arith.constant 8 : i32
      %mul3A_84 = arith.muli %mul3A_83, %scan3A_50 : i32
      %add3A_85 = arith.constant 4 : i32
      %add3A_86 = arith.addi %mul3A_84, %add3A_85 : i32
      %mul3A_87 = arith.constant 16 : i32
      %mul3A_88 = arith.muli %add3A_86, %mul3A_87 : i32
      %swap3A_89 = arith.index_cast %mul3A_88 : i32 to index
      %swap3A_90 = tpu.vector_load %arg5[%swap3A_89] {strides = array<i32>} : memref<10000xf32, #tpu.memory_space<vmem>>, vector<16xf32>,
      tpu.vector_store %arg5[%swap3A_89], %broadcast_in_dim3A_6 {strides = array<i32>} : memref<10000xf32, #tpu.memory_space<vmem>>, vector<16xf32>,
      %mul3A_91 = arith.constant 8 : i32
      %mul3A_92 = arith.muli %mul3A_91, %scan3A_50 : i32
      %add3A_93 = arith.constant 5 : i32
      %add3A_94 = arith.addi %mul3A_92, %add3A_93 : i32
      %mul3A_95 = arith.constant 16 : i32
      %mul3A_96 = arith.muli %add3A_94, %mul3A_95 : i32
      %swap3A_97 = arith.index_cast %mul3A_96 : i32 to index
      %swap3A_98 = tpu.vector_load %arg5[%swap3A_97] {strides = array<i32>} : memref<10000xf32, #tpu.memory_space<vmem>>, vector<16xf32>,
      tpu.vector_store %arg5[%swap3A_97], %broadcast_in_dim3A_6 {strides = array<i32>} : memref<10000xf32, #tpu.memory_space<vmem>>, vector<16xf32>,
      %mul3A_99 = arith.constant 8 : i32
      %mul3A_100 = arith.muli %mul3A_99, %scan3A_50 : i32
      %add3A_101 = arith.constant 6 : i32
      %add3A_102 = arith.addi %mul3A_100, %add3A_101 : i32
      %mul3A_103 = arith.constant 16 : i32
      %mul3A_104 = arith.muli %add3A_102, %mul3A_103 : i32
      %swap3A_105 = arith.index_cast %mul3A_104 : i32 to index
      %swap3A_106 = tpu.vector_load %arg5[%swap3A_105] {strides = array<i32>} : memref<10000xf32, #tpu.memory_space<vmem>>, vector<16xf32>,
      tpu.vector_store %arg5[%swap3A_105], %broadcast_in_dim3A_6 {strides = array<i32>} : memref<10000xf32, #tpu.memory_space<vmem>>, vector<16xf32>,
      %mul3A_107 = arith.constant 8 : i32
      %mul3A_108 = arith.muli %mul3A_107, %scan3A_50 : i32
      %add3A_109 = arith.constant 7 : i32
      %add3A_110 = arith.addi %mul3A_108, %add3A_109 : i32
      %mul3A_111 = arith.constant 16 : i32
      %mul3A_112 = arith.muli %add3A_110, %mul3A_111 : i32
      %swap3A_113 = arith.index_cast %mul3A_112 : i32 to index
      %swap3A_114 = tpu.vector_load %arg5[%swap3A_113] {strides = array<i32>} : memref<10000xf32, #tpu.memory_space<vmem>>, vector<16xf32>,
      tpu.vector_store %arg5[%swap3A_113], %broadcast_in_dim3A_6 {strides = array<i32>} : memref<10000xf32, #tpu.memory_space<vmem>>, vector<16xf32>,
    }
    %scan3A_11 = arith.constant 78 : i32
    %scan3A_12 = arith.constant 0 : i32
    %scan3A_13 = arith.constant 0 : i32
    %add3A_14 = arith.constant 624 : i32
    %add3A_15 = arith.addi %add3A_14, %scan3A_13 : i32
    %mul3A_16 = arith.constant 16 : i32
    %mul3A_17 = arith.muli %add3A_15, %mul3A_16 : i32
    %swap3A = arith.index_cast %mul3A_17 : i32 to index
    %swap3A_18 = tpu.vector_load %arg5[%swap3A] {strides = array<i32>} : memref<10000xf32, #tpu.memory_space<vmem>>, vector<16xf32>,
    tpu.vector_store %arg5[%swap3A], %broadcast_in_dim3A_6 {strides = array<i32>} : memref<10000xf32, #tpu.memory_space<vmem>>, vector<16xf32>,
    %scan3A_19 = arith.constant 1 : i32
    %dma_wait3A = tpu.memref_slice %arg2[%add3A_4] : memref<640000xi32, #tpu.memory_space<hbm>> -> memref<10000xi32, #tpu.memory_space<hbm>>
    %dma_wait3A_20 = tpu.memref_slice %arg2[%add3A_4] : memref<640000xi32, #tpu.memory_space<hbm>> -> memref<10000xi32, #tpu.memory_space<hbm>>
    tpu.wait_dma2 semaphore(%arg7 : memref<!tpu.dma_semaphore, #tpu.memory_space<semaphore_mem>>) src(%dma_wait3A_20 : memref<10000xi32, #tpu.memory_space<hbm>>) dst(%arg4 : memref<10000xi32, #tpu.memory_space<vmem>>)
    %scan3A_21 = arith.constant 0 : i32
    %scan3A_22 = arith.constant 0 : i32
    %scan3A_23 = arith.constant 125 : i32
    %scan3A_24 = arith.addi %scan3A_22, %scan3A_23 : i32
    %scan3A_25 = arith.constant 1 : i32
    scf.for %scan3A_50 = %scan3A_22 to %scan3A_24 step %scan3A_25  : i32 {
      %mul3A_51 = arith.constant 5 : i32
      %mul3A_52 = arith.muli %mul3A_51, %scan3A_50 : i32
      %add3A_53 = arith.constant 0 : i32
      %add3A_54 = arith.addi %add3A_53, %mul3A_52 : i32
      %add3A_55 = arith.constant 0 : i32
      %add3A_56 = arith.addi %add3A_54, %add3A_55 : i32
      %mul3A_57 = arith.constant 16 : i32
      %mul3A_58 = arith.muli %add3A_56, %mul3A_57 : i32
      %get3A_59 = arith.index_cast %mul3A_58 : i32 to index
      %get3A_60 = tpu.vector_load %arg4[%get3A_59] {strides = array<i32>} : memref<10000xi32, #tpu.memory_space<vmem>>, vector<16xi32>,
      %broadcast_in_dim3A_61 = arith.constant true
      %broadcast_in_dim3A_62 = vector.broadcast %broadcast_in_dim3A_61 : i1 to vector<16xi1>
      %unique3A, %unique3A_63 = tpu.scan_count mask(%broadcast_in_dim3A_62 : vector<16xi1>) value(%get3A_60 : vector<16xi32>) : vector<16xi1>, vector<16xi32>
      %convert_element_type3A = arith.sitofp %unique3A_63 : vector<16xi32> to vector<16xf32>
      %jit3A = arith.constant 0.000000e+00 : f32
      %broadcast_in_dim3A_64 = vector.broadcast %jit3A : f32 to vector<16xf32>
      %select_n3A = arith.select %unique3A, %convert_element_type3A, %broadcast_in_dim3A_64 : vector<16xi1>, vector<16xf32>
      %swap3A_65 = arith.index_cast %mul3A_58 : i32 to index
      %swap3A_66 = tpu.vector_load %arg6[%swap3A_65] {strides = array<i32>} : memref<10000xf32, #tpu.memory_space<vmem>>, vector<16xf32>,
      tpu.vector_store %arg6[%swap3A_65], %select_n3A {strides = array<i32>} : memref<10000xf32, #tpu.memory_space<vmem>>, vector<16xf32>,
      %mul3A_67 = arith.constant 5 : i32
      %mul3A_68 = arith.muli %mul3A_67, %scan3A_50 : i32
      %add3A_69 = arith.constant 0 : i32
      %add3A_70 = arith.addi %add3A_69, %mul3A_68 : i32
      %add3A_71 = arith.constant 1 : i32
      %add3A_72 = arith.addi %add3A_70, %add3A_71 : i32
      %mul3A_73 = arith.constant 16 : i32
      %mul3A_74 = arith.muli %add3A_72, %mul3A_73 : i32
      %get3A_75 = arith.index_cast %mul3A_74 : i32 to index
      %get3A_76 = tpu.vector_load %arg4[%get3A_75] {strides = array<i32>} : memref<10000xi32, #tpu.memory_space<vmem>>, vector<16xi32>,
      %broadcast_in_dim3A_77 = arith.constant true
      %broadcast_in_dim3A_78 = vector.broadcast %broadcast_in_dim3A_77 : i1 to vector<16xi1>
      %unique3A_79, %unique3A_80 = tpu.scan_count mask(%broadcast_in_dim3A_78 : vector<16xi1>) value(%get3A_76 : vector<16xi32>) : vector<16xi1>, vector<16xi32>
      %convert_element_type3A_81 = arith.sitofp %unique3A_80 : vector<16xi32> to vector<16xf32>
      %jit3A_82 = arith.constant 0.000000e+00 : f32
      %broadcast_in_dim3A_83 = vector.broadcast %jit3A_82 : f32 to vector<16xf32>
      %select_n3A_84 = arith.select %unique3A_79, %convert_element_type3A_81, %broadcast_in_dim3A_83 : vector<16xi1>, vector<16xf32>
      %swap3A_85 = arith.index_cast %mul3A_74 : i32 to index
      %swap3A_86 = tpu.vector_load %arg6[%swap3A_85] {strides = array<i32>} : memref<10000xf32, #tpu.memory_space<vmem>>, vector<16xf32>,
      tpu.vector_store %arg6[%swap3A_85], %select_n3A_84 {strides = array<i32>} : memref<10000xf32, #tpu.memory_space<vmem>>, vector<16xf32>,
      %mul3A_87 = arith.constant 5 : i32
      %mul3A_88 = arith.muli %mul3A_87, %scan3A_50 : i32
      %add3A_89 = arith.constant 0 : i32
      %add3A_90 = arith.addi %add3A_89, %mul3A_88 : i32
      %add3A_91 = arith.constant 2 : i32
      %add3A_92 = arith.addi %add3A_90, %add3A_91 : i32
      %mul3A_93 = arith.constant 16 : i32
      %mul3A_94 = arith.muli %add3A_92, %mul3A_93 : i32
      %get3A_95 = arith.index_cast %mul3A_94 : i32 to index
      %get3A_96 = tpu.vector_load %arg4[%get3A_95] {strides = array<i32>} : memref<10000xi32, #tpu.memory_space<vmem>>, vector<16xi32>,
      %broadcast_in_dim3A_97 = arith.constant true
      %broadcast_in_dim3A_98 = vector.broadcast %broadcast_in_dim3A_97 : i1 to vector<16xi1>
      %unique3A_99, %unique3A_100 = tpu.scan_count mask(%broadcast_in_dim3A_98 : vector<16xi1>) value(%get3A_96 : vector<16xi32>) : vector<16xi1>, vector<16xi32>
      %convert_element_type3A_101 = arith.sitofp %unique3A_100 : vector<16xi32> to vector<16xf32>
      %jit3A_102 = arith.constant 0.000000e+00 : f32
      %broadcast_in_dim3A_103 = vector.broadcast %jit3A_102 : f32 to vector<16xf32>
      %select_n3A_104 = arith.select %unique3A_99, %convert_element_type3A_101, %broadcast_in_dim3A_103 : vector<16xi1>, vector<16xf32>
      %swap3A_105 = arith.index_cast %mul3A_94 : i32 to index
      %swap3A_106 = tpu.vector_load %arg6[%swap3A_105] {strides = array<i32>} : memref<10000xf32, #tpu.memory_space<vmem>>, vector<16xf32>,
      tpu.vector_store %arg6[%swap3A_105], %select_n3A_104 {strides = array<i32>} : memref<10000xf32, #tpu.memory_space<vmem>>, vector<16xf32>,
      %mul3A_107 = arith.constant 5 : i32
      %mul3A_108 = arith.muli %mul3A_107, %scan3A_50 : i32
      %add3A_109 = arith.constant 0 : i32
      %add3A_110 = arith.addi %add3A_109, %mul3A_108 : i32
      %add3A_111 = arith.constant 3 : i32
      %add3A_112 = arith.addi %add3A_110, %add3A_111 : i32
      %mul3A_113 = arith.constant 16 : i32
      %mul3A_114 = arith.muli %add3A_112, %mul3A_113 : i32
      %get3A_115 = arith.index_cast %mul3A_114 : i32 to index
      %get3A_116 = tpu.vector_load %arg4[%get3A_115] {strides = array<i32>} : memref<10000xi32, #tpu.memory_space<vmem>>, vector<16xi32>,
      %broadcast_in_dim3A_117 = arith.constant true
      %broadcast_in_dim3A_118 = vector.broadcast %broadcast_in_dim3A_117 : i1 to vector<16xi1>
      %unique3A_119, %unique3A_120 = tpu.scan_count mask(%broadcast_in_dim3A_118 : vector<16xi1>) value(%get3A_116 : vector<16xi32>) : vector<16xi1>, vector<16xi32>
      %convert_element_type3A_121 = arith.sitofp %unique3A_120 : vector<16xi32> to vector<16xf32>
      %jit3A_122 = arith.constant 0.000000e+00 : f32
      %broadcast_in_dim3A_123 = vector.broadcast %jit3A_122 : f32 to vector<16xf32>
      %select_n3A_124 = arith.select %unique3A_119, %convert_element_type3A_121, %broadcast_in_dim3A_123 : vector<16xi1>, vector<16xf32>
      %swap3A_125 = arith.index_cast %mul3A_114 : i32 to index
      %swap3A_126 = tpu.vector_load %arg6[%swap3A_125] {strides = array<i32>} : memref<10000xf32, #tpu.memory_space<vmem>>, vector<16xf32>,
      tpu.vector_store %arg6[%swap3A_125], %select_n3A_124 {strides = array<i32>} : memref<10000xf32, #tpu.memory_space<vmem>>, vector<16xf32>,
      %mul3A_127 = arith.constant 5 : i32
      %mul3A_128 = arith.muli %mul3A_127, %scan3A_50 : i32
      %add3A_129 = arith.constant 0 : i32
      %add3A_130 = arith.addi %add3A_129, %mul3A_128 : i32
      %add3A_131 = arith.constant 4 : i32
      %add3A_132 = arith.addi %add3A_130, %add3A_131 : i32
      %mul3A_133 = arith.constant 16 : i32
      %mul3A_134 = arith.muli %add3A_132, %mul3A_133 : i32
      %get3A_135 = arith.index_cast %mul3A_134 : i32 to index
      %get3A_136 = tpu.vector_load %arg4[%get3A_135] {strides = array<i32>} : memref<10000xi32, #tpu.memory_space<vmem>>, vector<16xi32>,
      %broadcast_in_dim3A_137 = arith.constant true
      %broadcast_in_dim3A_138 = vector.broadcast %broadcast_in_dim3A_137 : i1 to vector<16xi1>
      %unique3A_139, %unique3A_140 = tpu.scan_count mask(%broadcast_in_dim3A_138 : vector<16xi1>) value(%get3A_136 : vector<16xi32>) : vector<16xi1>, vector<16xi32>
      %convert_element_type3A_141 = arith.sitofp %unique3A_140 : vector<16xi32> to vector<16xf32>
      %jit3A_142 = arith.constant 0.000000e+00 : f32
      %broadcast_in_dim3A_143 = vector.broadcast %jit3A_142 : f32 to vector<16xf32>
      %select_n3A_144 = arith.select %unique3A_139, %convert_element_type3A_141, %broadcast_in_dim3A_143 : vector<16xi1>, vector<16xf32>
      %swap3A_145 = arith.index_cast %mul3A_134 : i32 to index
      %swap3A_146 = tpu.vector_load %arg6[%swap3A_145] {strides = array<i32>} : memref<10000xf32, #tpu.memory_space<vmem>>, vector<16xf32>,
      tpu.vector_store %arg6[%swap3A_145], %select_n3A_144 {strides = array<i32>} : memref<10000xf32, #tpu.memory_space<vmem>>, vector<16xf32>,
    }
    %scan3A_26 = arith.constant 125 : i32
    %scan3A_27 = arith.constant 0 : i32
    %scan3A_28 = arith.constant 0 : i32
    %scan3A_29 = arith.constant 0 : i32
    %scan3A_30 = arith.addi %scan3A_28, %scan3A_29 : i32
    %scan3A_31 = arith.constant 0 : i32
    %scan3A_32 = arith.constant 0 : i32
    %scan3A_33 = arith.constant 0 : i32
    %scan3A_34 = arith.constant 39 : i32
    %scan3A_35 = arith.addi %scan3A_33, %scan3A_34 : i32
    %scan3A_36 = arith.constant 1 : i32
    scf.for %scan3A_50 = %scan3A_33 to %scan3A_35 step %scan3A_36  : i32 {
      %mul3A_51 = arith.constant 16 : i32
      %mul3A_52 = arith.muli %mul3A_51, %scan3A_50 : i32
      %add3A_53 = arith.constant 0 : i32
      %add3A_54 = arith.addi %mul3A_52, %add3A_53 : i32
      %mul3A_55 = arith.constant 16 : i32
      %mul3A_56 = arith.muli %add3A_54, %mul3A_55 : i32
      %get3A_57 = arith.index_cast %mul3A_56 : i32 to index
      %get3A_58 = tpu.vector_load %arg4[%get3A_57] {strides = array<i32>} : memref<10000xi32, #tpu.memory_space<vmem>>, vector<16xi32>,
      %get3A_59 = arith.index_cast %mul3A_56 : i32 to index
      %get3A_60 = tpu.vector_load %arg6[%get3A_59] {strides = array<i32>} : memref<10000xf32, #tpu.memory_space<vmem>>, vector<16xf32>,
      %gt3A_61 = arith.constant 5.000000e-01 : f32
      %gt3A_62 = vector.broadcast %gt3A_61 : f32 to vector<16xf32>
      %gt3A_63 = arith.cmpf ogt, %get3A_60, %gt3A_62 : vector<16xf32>
      tpu.vector_store_idx %arg5[%get3A_58], %get3A_60 masked %gt3A_63 {add = true} : memref<10000xf32, #tpu.memory_space<vmem>>[vector<16xi32>], vector<16xf32>, vector<16xi1>
      %mul3A_64 = arith.constant 16 : i32
      %mul3A_65 = arith.muli %mul3A_64, %scan3A_50 : i32
      %add3A_66 = arith.constant 1 : i32
      %add3A_67 = arith.addi %mul3A_65, %add3A_66 : i32
      %mul3A_68 = arith.constant 16 : i32
      %mul3A_69 = arith.muli %add3A_67, %mul3A_68 : i32
      %get3A_70 = arith.index_cast %mul3A_69 : i32 to index
      %get3A_71 = tpu.vector_load %arg4[%get3A_70] {strides = array<i32>} : memref<10000xi32, #tpu.memory_space<vmem>>, vector<16xi32>,
      %get3A_72 = arith.index_cast %mul3A_69 : i32 to index
      %get3A_73 = tpu.vector_load %arg6[%get3A_72] {strides = array<i32>} : memref<10000xf32, #tpu.memory_space<vmem>>, vector<16xf32>,
      %gt3A_74 = arith.constant 5.000000e-01 : f32
      %gt3A_75 = vector.broadcast %gt3A_74 : f32 to vector<16xf32>
      %gt3A_76 = arith.cmpf ogt, %get3A_73, %gt3A_75 : vector<16xf32>
      tpu.vector_store_idx %arg5[%get3A_71], %get3A_73 masked %gt3A_76 {add = true} : memref<10000xf32, #tpu.memory_space<vmem>>[vector<16xi32>], vector<16xf32>, vector<16xi1>
      %mul3A_77 = arith.constant 16 : i32
      %mul3A_78 = arith.muli %mul3A_77, %scan3A_50 : i32
      %add3A_79 = arith.constant 2 : i32
      %add3A_80 = arith.addi %mul3A_78, %add3A_79 : i32
      %mul3A_81 = arith.constant 16 : i32
      %mul3A_82 = arith.muli %add3A_80, %mul3A_81 : i32
      %get3A_83 = arith.index_cast %mul3A_82 : i32 to index
      %get3A_84 = tpu.vector_load %arg4[%get3A_83] {strides = array<i32>} : memref<10000xi32, #tpu.memory_space<vmem>>, vector<16xi32>,
      %get3A_85 = arith.index_cast %mul3A_82 : i32 to index
      %get3A_86 = tpu.vector_load %arg6[%get3A_85] {strides = array<i32>} : memref<10000xf32, #tpu.memory_space<vmem>>, vector<16xf32>,
      %gt3A_87 = arith.constant 5.000000e-01 : f32
      %gt3A_88 = vector.broadcast %gt3A_87 : f32 to vector<16xf32>
      %gt3A_89 = arith.cmpf ogt, %get3A_86, %gt3A_88 : vector<16xf32>
      tpu.vector_store_idx %arg5[%get3A_84], %get3A_86 masked %gt3A_89 {add = true} : memref<10000xf32, #tpu.memory_space<vmem>>[vector<16xi32>], vector<16xf32>, vector<16xi1>
      %mul3A_90 = arith.constant 16 : i32
      %mul3A_91 = arith.muli %mul3A_90, %scan3A_50 : i32
      %add3A_92 = arith.constant 3 : i32
      %add3A_93 = arith.addi %mul3A_91, %add3A_92 : i32
      %mul3A_94 = arith.constant 16 : i32
      %mul3A_95 = arith.muli %add3A_93, %mul3A_94 : i32
      %get3A_96 = arith.index_cast %mul3A_95 : i32 to index
      %get3A_97 = tpu.vector_load %arg4[%get3A_96] {strides = array<i32>} : memref<10000xi32, #tpu.memory_space<vmem>>, vector<16xi32>,
      %get3A_98 = arith.index_cast %mul3A_95 : i32 to index
      %get3A_99 = tpu.vector_load %arg6[%get3A_98] {strides = array<i32>} : memref<10000xf32, #tpu.memory_space<vmem>>, vector<16xf32>,
      %gt3A_100 = arith.constant 5.000000e-01 : f32
      %gt3A_101 = vector.broadcast %gt3A_100 : f32 to vector<16xf32>
      %gt3A_102 = arith.cmpf ogt, %get3A_99, %gt3A_101 : vector<16xf32>
      tpu.vector_store_idx %arg5[%get3A_97], %get3A_99 masked %gt3A_102 {add = true} : memref<10000xf32, #tpu.memory_space<vmem>>[vector<16xi32>], vector<16xf32>, vector<16xi1>
      %mul3A_103 = arith.constant 16 : i32
      %mul3A_104 = arith.muli %mul3A_103, %scan3A_50 : i32
      %add3A_105 = arith.constant 4 : i32
      %add3A_106 = arith.addi %mul3A_104, %add3A_105 : i32
      %mul3A_107 = arith.constant 16 : i32
      %mul3A_108 = arith.muli %add3A_106, %mul3A_107 : i32
      %get3A_109 = arith.index_cast %mul3A_108 : i32 to index
      %get3A_110 = tpu.vector_load %arg4[%get3A_109] {strides = array<i32>} : memref<10000xi32, #tpu.memory_space<vmem>>, vector<16xi32>,
      %get3A_111 = arith.index_cast %mul3A_108 : i32 to index
      %get3A_112 = tpu.vector_load %arg6[%get3A_111] {strides = array<i32>} : memref<10000xf32, #tpu.memory_space<vmem>>, vector<16xf32>,
      %gt3A_113 = arith.constant 5.000000e-01 : f32
      %gt3A_114 = vector.broadcast %gt3A_113 : f32 to vector<16xf32>
      %gt3A_115 = arith.cmpf ogt, %get3A_112, %gt3A_114 : vector<16xf32>
      tpu.vector_store_idx %arg5[%get3A_110], %get3A_112 masked %gt3A_115 {add = true} : memref<10000xf32, #tpu.memory_space<vmem>>[vector<16xi32>], vector<16xf32>, vector<16xi1>
      %mul3A_116 = arith.constant 16 : i32
      %mul3A_117 = arith.muli %mul3A_116, %scan3A_50 : i32
      %add3A_118 = arith.constant 5 : i32
      %add3A_119 = arith.addi %mul3A_117, %add3A_118 : i32
      %mul3A_120 = arith.constant 16 : i32
      %mul3A_121 = arith.muli %add3A_119, %mul3A_120 : i32
      %get3A_122 = arith.index_cast %mul3A_121 : i32 to index
      %get3A_123 = tpu.vector_load %arg4[%get3A_122] {strides = array<i32>} : memref<10000xi32, #tpu.memory_space<vmem>>, vector<16xi32>,
      %get3A_124 = arith.index_cast %mul3A_121 : i32 to index
      %get3A_125 = tpu.vector_load %arg6[%get3A_124] {strides = array<i32>} : memref<10000xf32, #tpu.memory_space<vmem>>, vector<16xf32>,
      %gt3A_126 = arith.constant 5.000000e-01 : f32
      %gt3A_127 = vector.broadcast %gt3A_126 : f32 to vector<16xf32>
      %gt3A_128 = arith.cmpf ogt, %get3A_125, %gt3A_127 : vector<16xf32>
      tpu.vector_store_idx %arg5[%get3A_123], %get3A_125 masked %gt3A_128 {add = true} : memref<10000xf32, #tpu.memory_space<vmem>>[vector<16xi32>], vector<16xf32>, vector<16xi1>
      %mul3A_129 = arith.constant 16 : i32
      %mul3A_130 = arith.muli %mul3A_129, %scan3A_50 : i32
      %add3A_131 = arith.constant 6 : i32
      %add3A_132 = arith.addi %mul3A_130, %add3A_131 : i32
      %mul3A_133 = arith.constant 16 : i32
      %mul3A_134 = arith.muli %add3A_132, %mul3A_133 : i32
      %get3A_135 = arith.index_cast %mul3A_134 : i32 to index
      %get3A_136 = tpu.vector_load %arg4[%get3A_135] {strides = array<i32>} : memref<10000xi32, #tpu.memory_space<vmem>>, vector<16xi32>,
      %get3A_137 = arith.index_cast %mul3A_134 : i32 to index
      %get3A_138 = tpu.vector_load %arg6[%get3A_137] {strides = array<i32>} : memref<10000xf32, #tpu.memory_space<vmem>>, vector<16xf32>,
      %gt3A_139 = arith.constant 5.000000e-01 : f32
      %gt3A_140 = vector.broadcast %gt3A_139 : f32 to vector<16xf32>
      %gt3A_141 = arith.cmpf ogt, %get3A_138, %gt3A_140 : vector<16xf32>
      tpu.vector_store_idx %arg5[%get3A_136], %get3A_138 masked %gt3A_141 {add = true} : memref<10000xf32, #tpu.memory_space<vmem>>[vector<16xi32>], vector<16xf32>, vector<16xi1>
      %mul3A_142 = arith.constant 16 : i32
      %mul3A_143 = arith.muli %mul3A_142, %scan3A_50 : i32
      %add3A_144 = arith.constant 7 : i32
      %add3A_145 = arith.addi %mul3A_143, %add3A_144 : i32
      %mul3A_146 = arith.constant 16 : i32
      %mul3A_147 = arith.muli %add3A_145, %mul3A_146 : i32
      %get3A_148 = arith.index_cast %mul3A_147 : i32 to index
      %get3A_149 = tpu.vector_load %arg4[%get3A_148] {strides = array<i32>} : memref<10000xi32, #tpu.memory_space<vmem>>, vector<16xi32>,
      %get3A_150 = arith.index_cast %mul3A_147 : i32 to index
      %get3A_151 = tpu.vector_load %arg6[%get3A_150] {strides = array<i32>} : memref<10000xf32, #tpu.memory_space<vmem>>, vector<16xf32>,
      %gt3A_152 = arith.constant 5.000000e-01 : f32
      %gt3A_153 = vector.broadcast %gt3A_152 : f32 to vector<16xf32>
      %gt3A_154 = arith.cmpf ogt, %get3A_151, %gt3A_153 : vector<16xf32>
      tpu.vector_store_idx %arg5[%get3A_149], %get3A_151 masked %gt3A_154 {add = true} : memref<10000xf32, #tpu.memory_space<vmem>>[vector<16xi32>], vector<16xf32>, vector<16xi1>
      %mul3A_155 = arith.constant 16 : i32
      %mul3A_156 = arith.muli %mul3A_155, %scan3A_50 : i32
      %add3A_157 = arith.constant 8 : i32
      %add3A_158 = arith.addi %mul3A_156, %add3A_157 : i32
      %mul3A_159 = arith.constant 16 : i32
      %mul3A_160 = arith.muli %add3A_158, %mul3A_159 : i32
      %get3A_161 = arith.index_cast %mul3A_160 : i32 to index
      %get3A_162 = tpu.vector_load %arg4[%get3A_161] {strides = array<i32>} : memref<10000xi32, #tpu.memory_space<vmem>>, vector<16xi32>,
      %get3A_163 = arith.index_cast %mul3A_160 : i32 to index
      %get3A_164 = tpu.vector_load %arg6[%get3A_163] {strides = array<i32>} : memref<10000xf32, #tpu.memory_space<vmem>>, vector<16xf32>,
      %gt3A_165 = arith.constant 5.000000e-01 : f32
      %gt3A_166 = vector.broadcast %gt3A_165 : f32 to vector<16xf32>
      %gt3A_167 = arith.cmpf ogt, %get3A_164, %gt3A_166 : vector<16xf32>
      tpu.vector_store_idx %arg5[%get3A_162], %get3A_164 masked %gt3A_167 {add = true} : memref<10000xf32, #tpu.memory_space<vmem>>[vector<16xi32>], vector<16xf32>, vector<16xi1>
      %mul3A_168 = arith.constant 16 : i32
      %mul3A_169 = arith.muli %mul3A_168, %scan3A_50 : i32
      %add3A_170 = arith.constant 9 : i32
      %add3A_171 = arith.addi %mul3A_169, %add3A_170 : i32
      %mul3A_172 = arith.constant 16 : i32
      %mul3A_173 = arith.muli %add3A_171, %mul3A_172 : i32
      %get3A_174 = arith.index_cast %mul3A_173 : i32 to index
      %get3A_175 = tpu.vector_load %arg4[%get3A_174] {strides = array<i32>} : memref<10000xi32, #tpu.memory_space<vmem>>, vector<16xi32>,
      %get3A_176 = arith.index_cast %mul3A_173 : i32 to index
      %get3A_177 = tpu.vector_load %arg6[%get3A_176] {strides = array<i32>} : memref<10000xf32, #tpu.memory_space<vmem>>, vector<16xf32>,
      %gt3A_178 = arith.constant 5.000000e-01 : f32
      %gt3A_179 = vector.broadcast %gt3A_178 : f32 to vector<16xf32>
      %gt3A_180 = arith.cmpf ogt, %get3A_177, %gt3A_179 : vector<16xf32>
      tpu.vector_store_idx %arg5[%get3A_175], %get3A_177 masked %gt3A_180 {add = true} : memref<10000xf32, #tpu.memory_space<vmem>>[vector<16xi32>], vector<16xf32>, vector<16xi1>
      %mul3A_181 = arith.constant 16 : i32
      %mul3A_182 = arith.muli %mul3A_181, %scan3A_50 : i32
      %add3A_183 = arith.constant 10 : i32
      %add3A_184 = arith.addi %mul3A_182, %add3A_183 : i32
      %mul3A_185 = arith.constant 16 : i32
      %mul3A_186 = arith.muli %add3A_184, %mul3A_185 : i32
      %get3A_187 = arith.index_cast %mul3A_186 : i32 to index
      %get3A_188 = tpu.vector_load %arg4[%get3A_187] {strides = array<i32>} : memref<10000xi32, #tpu.memory_space<vmem>>, vector<16xi32>,
      %get3A_189 = arith.index_cast %mul3A_186 : i32 to index
      %get3A_190 = tpu.vector_load %arg6[%get3A_189] {strides = array<i32>} : memref<10000xf32, #tpu.memory_space<vmem>>, vector<16xf32>,
      %gt3A_191 = arith.constant 5.000000e-01 : f32
      %gt3A_192 = vector.broadcast %gt3A_191 : f32 to vector<16xf32>
      %gt3A_193 = arith.cmpf ogt, %get3A_190, %gt3A_192 : vector<16xf32>
      tpu.vector_store_idx %arg5[%get3A_188], %get3A_190 masked %gt3A_193 {add = true} : memref<10000xf32, #tpu.memory_space<vmem>>[vector<16xi32>], vector<16xf32>, vector<16xi1>
      %mul3A_194 = arith.constant 16 : i32
      %mul3A_195 = arith.muli %mul3A_194, %scan3A_50 : i32
      %add3A_196 = arith.constant 11 : i32
      %add3A_197 = arith.addi %mul3A_195, %add3A_196 : i32
      %mul3A_198 = arith.constant 16 : i32
      %mul3A_199 = arith.muli %add3A_197, %mul3A_198 : i32
      %get3A_200 = arith.index_cast %mul3A_199 : i32 to index
      %get3A_201 = tpu.vector_load %arg4[%get3A_200] {strides = array<i32>} : memref<10000xi32, #tpu.memory_space<vmem>>, vector<16xi32>,
      %get3A_202 = arith.index_cast %mul3A_199 : i32 to index
      %get3A_203 = tpu.vector_load %arg6[%get3A_202] {strides = array<i32>} : memref<10000xf32, #tpu.memory_space<vmem>>, vector<16xf32>,
      %gt3A_204 = arith.constant 5.000000e-01 : f32
      %gt3A_205 = vector.broadcast %gt3A_204 : f32 to vector<16xf32>
      %gt3A_206 = arith.cmpf ogt, %get3A_203, %gt3A_205 : vector<16xf32>
      tpu.vector_store_idx %arg5[%get3A_201], %get3A_203 masked %gt3A_206 {add = true} : memref<10000xf32, #tpu.memory_space<vmem>>[vector<16xi32>], vector<16xf32>, vector<16xi1>
      %mul3A_207 = arith.constant 16 : i32
      %mul3A_208 = arith.muli %mul3A_207, %scan3A_50 : i32
      %add3A_209 = arith.constant 12 : i32
      %add3A_210 = arith.addi %mul3A_208, %add3A_209 : i32
      %mul3A_211 = arith.constant 16 : i32
      %mul3A_212 = arith.muli %add3A_210, %mul3A_211 : i32
      %get3A_213 = arith.index_cast %mul3A_212 : i32 to index
      %get3A_214 = tpu.vector_load %arg4[%get3A_213] {strides = array<i32>} : memref<10000xi32, #tpu.memory_space<vmem>>, vector<16xi32>,
      %get3A_215 = arith.index_cast %mul3A_212 : i32 to index
      %get3A_216 = tpu.vector_load %arg6[%get3A_215] {strides = array<i32>} : memref<10000xf32, #tpu.memory_space<vmem>>, vector<16xf32>,
      %gt3A_217 = arith.constant 5.000000e-01 : f32
      %gt3A_218 = vector.broadcast %gt3A_217 : f32 to vector<16xf32>
      %gt3A_219 = arith.cmpf ogt, %get3A_216, %gt3A_218 : vector<16xf32>
      tpu.vector_store_idx %arg5[%get3A_214], %get3A_216 masked %gt3A_219 {add = true} : memref<10000xf32, #tpu.memory_space<vmem>>[vector<16xi32>], vector<16xf32>, vector<16xi1>
      %mul3A_220 = arith.constant 16 : i32
      %mul3A_221 = arith.muli %mul3A_220, %scan3A_50 : i32
      %add3A_222 = arith.constant 13 : i32
      %add3A_223 = arith.addi %mul3A_221, %add3A_222 : i32
      %mul3A_224 = arith.constant 16 : i32
      %mul3A_225 = arith.muli %add3A_223, %mul3A_224 : i32
      %get3A_226 = arith.index_cast %mul3A_225 : i32 to index
      %get3A_227 = tpu.vector_load %arg4[%get3A_226] {strides = array<i32>} : memref<10000xi32, #tpu.memory_space<vmem>>, vector<16xi32>,
      %get3A_228 = arith.index_cast %mul3A_225 : i32 to index
      %get3A_229 = tpu.vector_load %arg6[%get3A_228] {strides = array<i32>} : memref<10000xf32, #tpu.memory_space<vmem>>, vector<16xf32>,
      %gt3A_230 = arith.constant 5.000000e-01 : f32
      %gt3A_231 = vector.broadcast %gt3A_230 : f32 to vector<16xf32>
      %gt3A_232 = arith.cmpf ogt, %get3A_229, %gt3A_231 : vector<16xf32>
      tpu.vector_store_idx %arg5[%get3A_227], %get3A_229 masked %gt3A_232 {add = true} : memref<10000xf32, #tpu.memory_space<vmem>>[vector<16xi32>], vector<16xf32>, vector<16xi1>
      %mul3A_233 = arith.constant 16 : i32
      %mul3A_234 = arith.muli %mul3A_233, %scan3A_50 : i32
      %add3A_235 = arith.constant 14 : i32
      %add3A_236 = arith.addi %mul3A_234, %add3A_235 : i32
      %mul3A_237 = arith.constant 16 : i32
      %mul3A_238 = arith.muli %add3A_236, %mul3A_237 : i32
      %get3A_239 = arith.index_cast %mul3A_238 : i32 to index
      %get3A_240 = tpu.vector_load %arg4[%get3A_239] {strides = array<i32>} : memref<10000xi32, #tpu.memory_space<vmem>>, vector<16xi32>,
      %get3A_241 = arith.index_cast %mul3A_238 : i32 to index
      %get3A_242 = tpu.vector_load %arg6[%get3A_241] {strides = array<i32>} : memref<10000xf32, #tpu.memory_space<vmem>>, vector<16xf32>,
      %gt3A_243 = arith.constant 5.000000e-01 : f32
      %gt3A_244 = vector.broadcast %gt3A_243 : f32 to vector<16xf32>
      %gt3A_245 = arith.cmpf ogt, %get3A_242, %gt3A_244 : vector<16xf32>
      tpu.vector_store_idx %arg5[%get3A_240], %get3A_242 masked %gt3A_245 {add = true} : memref<10000xf32, #tpu.memory_space<vmem>>[vector<16xi32>], vector<16xf32>, vector<16xi1>
      %mul3A_246 = arith.constant 16 : i32
      %mul3A_247 = arith.muli %mul3A_246, %scan3A_50 : i32
      %add3A_248 = arith.constant 15 : i32
      %add3A_249 = arith.addi %mul3A_247, %add3A_248 : i32
      %mul3A_250 = arith.constant 16 : i32
      %mul3A_251 = arith.muli %add3A_249, %mul3A_250 : i32
      %get3A_252 = arith.index_cast %mul3A_251 : i32 to index
      %get3A_253 = tpu.vector_load %arg4[%get3A_252] {strides = array<i32>} : memref<10000xi32, #tpu.memory_space<vmem>>, vector<16xi32>,
      %get3A_254 = arith.index_cast %mul3A_251 : i32 to index
      %get3A_255 = tpu.vector_load %arg6[%get3A_254] {strides = array<i32>} : memref<10000xf32, #tpu.memory_space<vmem>>, vector<16xf32>,
      %gt3A_256 = arith.constant 5.000000e-01 : f32
      %gt3A_257 = vector.broadcast %gt3A_256 : f32 to vector<16xf32>
      %gt3A_258 = arith.cmpf ogt, %get3A_255, %gt3A_257 : vector<16xf32>
      tpu.vector_store_idx %arg5[%get3A_253], %get3A_255 masked %gt3A_258 {add = true} : memref<10000xf32, #tpu.memory_space<vmem>>[vector<16xi32>], vector<16xf32>, vector<16xi1>
    }
    %scan3A_37 = arith.constant 39 : i32
    %scan3A_38 = arith.constant 0 : i32
    %scan3A_39 = arith.constant 0 : i32
    %add3A_40 = arith.constant 624 : i32
    %add3A_41 = arith.addi %add3A_40, %scan3A_39 : i32
    %mul3A_42 = arith.constant 16 : i32
    %mul3A_43 = arith.muli %add3A_41, %mul3A_42 : i32
    %get3A = arith.index_cast %mul3A_43 : i32 to index
    %get3A_44 = tpu.vector_load %arg4[%get3A] {strides = array<i32>} : memref<10000xi32, #tpu.memory_space<vmem>>, vector<16xi32>,
    %get3A_45 = arith.index_cast %mul3A_43 : i32 to index
    %get3A_46 = tpu.vector_load %arg6[%get3A_45] {strides = array<i32>} : memref<10000xf32, #tpu.memory_space<vmem>>, vector<16xf32>,
    %gt3A = arith.constant 5.000000e-01 : f32
    %gt3A_47 = vector.broadcast %gt3A : f32 to vector<16xf32>
    %gt3A_48 = arith.cmpf ogt, %get3A_46, %gt3A_47 : vector<16xf32>
    tpu.vector_store_idx %arg5[%get3A_44], %get3A_46 masked %gt3A_48 {add = true} : memref<10000xf32, #tpu.memory_space<vmem>>[vector<16xi32>], vector<16xf32>, vector<16xi1>
    %scan3A_49 = arith.constant 1 : i32
    "tpu.region"() ({
      %run_scoped3A = tpu.sem_alloc : memref<!tpu.dma_semaphore, #tpu.memory_space<semaphore_mem>>
      %dma_start3A_50 = arith.constant 0 : i32
      %dma_start3A_51 = tpu.memref_slice %arg3[%add3A, %dma_start3A_50] : memref<32x10000xf32, #tpu.memory_space<hbm>> -> memref<1x10000xf32, #tpu.memory_space<hbm>>
      %dma_start3A_52 = tpu.memref_squeeze %dma_start3A_51 : memref<1x10000xf32, #tpu.memory_space<hbm>> -> memref<10000xf32, #tpu.memory_space<hbm>>
      %dma_start3A_53 = arith.constant 0 : i32
      %dma_start3A_54 = tpu.memref_slice %arg3[%add3A, %dma_start3A_53] : memref<32x10000xf32, #tpu.memory_space<hbm>> -> memref<1x10000xf32, #tpu.memory_space<hbm>>
      %dma_start3A_55 = tpu.memref_squeeze %dma_start3A_54 : memref<1x10000xf32, #tpu.memory_space<hbm>> -> memref<10000xf32, #tpu.memory_space<hbm>>
      tpu.enqueue_dma source(%arg5 : memref<10000xf32, #tpu.memory_space<vmem>>) target(%dma_start3A_55 : memref<10000xf32, #tpu.memory_space<hbm>>) target_semaphore(%run_scoped3A : memref<!tpu.dma_semaphore, #tpu.memory_space<semaphore_mem>>)
      %dma_wait3A_56 = arith.constant 0 : i32
      %dma_wait3A_57 = tpu.memref_slice %arg3[%add3A, %dma_wait3A_56] : memref<32x10000xf32, #tpu.memory_space<hbm>> -> memref<1x10000xf32, #tpu.memory_space<hbm>>
      %dma_wait3A_58 = tpu.memref_squeeze %dma_wait3A_57 : memref<1x10000xf32, #tpu.memory_space<hbm>> -> memref<10000xf32, #tpu.memory_space<hbm>>
      %dma_wait3A_59 = arith.constant 0 : i32
      %dma_wait3A_60 = tpu.memref_slice %arg3[%add3A, %dma_wait3A_59] : memref<32x10000xf32, #tpu.memory_space<hbm>> -> memref<1x10000xf32, #tpu.memory_space<hbm>>
      %dma_wait3A_61 = tpu.memref_squeeze %dma_wait3A_60 : memref<1x10000xf32, #tpu.memory_space<hbm>> -> memref<10000xf32, #tpu.memory_space<hbm>>
      tpu.wait_dma2 semaphore(%run_scoped3A : memref<!tpu.dma_semaphore, #tpu.memory_space<semaphore_mem>>) src(%arg5 : memref<10000xf32, #tpu.memory_space<vmem>>) dst(%dma_wait3A_61 : memref<10000xf32, #tpu.memory_space<hbm>>)
      tpu.yield
    }) : () -> ()
    return
  }
}

module attributes {stable_mosaic.version = 14 : i64} {
  func.func @_merge_body(%arg0: memref<32x10000xf32, #tpu.memory_space<vmem>>, %arg1: memref<1x10000xf32, #tpu.memory_space<vmem>>) attributes {dimension_semantics = [], scalar_prefetch = 0 : i64, scratch_operands = 0 : i64, tpu.core_type = #tpu.core_type<tc>} {
    %get3A = arith.constant 0 : index
    %get3A_0 = arith.constant 0 : index
    %get3A_1 = vector.load %arg0[%get3A, %get3A_0] : memref<32x10000xf32, #tpu.memory_space<vmem>>, vector<32x10000xf32>
    %reduce_sum3A = arith.constant dense<0.000000e+00> : vector<10000xf32>
    %reduce_sum3A_2 = vector.multi_reduction <add>, %get3A_1, %reduce_sum3A [0] : vector<32x10000xf32> to vector<10000xf32>
    %broadcast_in_dim3A = vector.shape_cast %reduce_sum3A_2 : vector<10000xf32> to vector<1x10000xf32>
    %swap3A = arith.constant 0 : index
    %swap3A_3 = arith.constant 0 : index
    %swap3A_4 = vector.load %arg1[%swap3A, %swap3A_3] : memref<1x10000xf32, #tpu.memory_space<vmem>>, vector<1x10000xf32>
    tpu.vector_store %arg1[%swap3A, %swap3A_3], %broadcast_in_dim3A {strides = array<i32>} : memref<1x10000xf32, #tpu.memory_space<vmem>>, vector<1x10000xf32>,
    return
  }
}

</mosaic_0001>

<sc_bundles>
// kernel: kernel.4.cloned.1.call-start
scs
__scs_entry_jumppad:
0x0: {  	(pc) =	sbr.rel $0x88, $3  }
0x1: {  	(tag) =	ssettag $0x0;
	lr =	simm.s32 $0x1  }
0x2: {  	[smem:$0x3FA0] =	sst lr;
	_ =	strace $0xD0000000  }
0x3: {  	_ = 	snop  }
0x4: {  	_ = 	snop  }
0x5: {  	_ = 	snop  }
0x6: {  	_ = 	snop  }
0x7: {  	_ = 	snop  }
__scs_overlays_trampoline_lowered:
0x8: {  	[smem:$0x3FAF] =	sst s0  }
0x9: {  	[smem:$0x3FB0] =	sst s1  }
0xa: {  	[smem:$0x3FB1] =	sst s2  }
0xb: {  	[smem:$0x3FB2] =	sst s3  }
0xc: {  	[smem:$0x3FB3] =	sst s4  }
0xd: {  	[smem:$0x3FB4] =	sst s5  }
0xe: {  	[smem:$0x3FB5] =	sst s6  }
0xf: {  	[smem:$0x3FB6] =	sst s7  }
0x10: {  	[smem:$0x3FB7] =	sst s8  }
0x11: {  	[smem:$0x3FB8] =	sst s9;
	s0 =	simm.s32 @!p0 $0x0  }
0x12: {  	s1 =	sld [smem:$0x3F9E];
	s0 =	simm.s32 @p0 $0x1  }
0x13: {  	[smem:$0x3FB9] =	sst s0;
	s0 =	simm.s32 @!p1 $0x0  }
0x14: {  	s2 =	sld [smem:$0x3F9D];
	s0 =	simm.s32 @p1 $0x1  }
0x15: {  	[smem:$0x3FBA] =	sst s0;
	s0 =	simm.s32 @!p2 $0x0  }
0x16: {  	s3 =	sld [smem:$0x3FDB];
	s0 =	simm.s32 @p2 $0x1  }
0x17: {  	s4 =	simm.s32 $0x1BF5;
	[smem:$0x3FBC] =	sst s0  }
0x18: {  	s0 =	sld [smem:$0x3F9F];
	_ =	swait.ge [sflag:s4], $0x0  }
0x19: {  	s7 =	sld [smem:$0x3FA0]  }
0x1a: {  	s8 =	sadd.s32 $0xFFFFE003, lr  }
0x1b: {  	s9 =	sadd.s32 $0xFFFFFEF7, lr;
	s5 =	simm.s32 $0xFFFFFFFF;
	p2 =	slt.u32 s8, $0xFFFFF086  }
0x1c: {  	p1 =	slt.u32 s9, $0xF7A;
	s5 =	simm.s32 @!p2 $0x0  }
0x1d: {  	s5 =	simm.s32 @p1 $0x1;
	p0 =	seq.s32 s7, s2  }
0x1e: {  	s7 =	smul.u32 @!p0 $0xF7A, s2;
	p2 =	seq.s32 @!p0 s5, $0x0  }
0x1f: {  	s9 =	smul.u32 $0xF7A, s1;
	s8 =	simm.s32 @!p0 $0x1BF5;
	p2 =	por !p2, p0  }
0x20: {  	[sflag:s8] =	ssyncset.s32 @!p0 $0xFFFFF086;
	s6 =	sadd.s32 @!p0 s3, s7;
	s7 =	simm.s32 @!p0 $0x108  }
0x21: {  	s3 =	sadd.s32 s3, s9;
	s6 =	sadd.s32 @!p0 $0x88, s6;
	s7 =	simm.s32 @p2 $0x1082  }
0x22: {  	[simem:s7], [sflag:s8] =	dma.local @!p0 [hbm:s6], $0xF7A  }
0x23: {  	s9 =	sor.u32 $0xD0000000, s2;
	s6 =	simm.s32 $0x108;
	_ =	swait.ge @!p0 [sflag:s8], $0x0  }
0x24: {  	s3 =	sadd.s32 $0x88, s3;
	s6 =	simm.s32 @!p1 $0x1082;
	[sflag:s4] =	ssyncset.s32 $0xFFFFF086  }
0x25: {  	[simem:s6], [sflag:s4] =	dma.local [hbm:s3], $0xF7A  }
0x26: {  	[smem:$0x3FA0] =	sst s1;
	(tag) =	ssettag s2;
	_ =	strace s9  }
0x27: {  	s1 =	sld [smem:$0x3FB0]  }
0x28: {  	s2 =	sld [smem:$0x3FB1]  }
0x29: {  	s4 =	sld [smem:$0x3FB3]  }
0x2a: {  	p0 =	seq.s32 s5, $0x0;
	s5 =	sld [smem:$0x3FB4]  }
0x2b: {  	s6 =	sld [smem:$0x3FB5]  }
0x2c: {  	s7 =	sld [smem:$0x3FB6]  }
0x2d: {  	s3 =	simm.s32 $0x108;
	s8 =	sld [smem:$0x3FB7]  }
0x2e: {  	s3 =	simm.s32 @!p0 $0x1082;
	s9 =	sld [smem:$0x3FB8]  }
0x2f: {  	lr =	sadd.s32 s0, s3;
	s0 =	sld [smem:$0x3FAF]  }
0x30: {  	s3 =	sld [smem:$0x3FB2]  }
0x31: {  	[smem:$0x3FBB] =	sst s10  }
0x32: {  	s10 =	sld [smem:$0x3FB9];
	_ =	sdelay $0x3  }
0x33: {  	p0 =	seq.s32 s10, $0x1;
	s10 =	sld [smem:$0x3FBB];
	_ =	sdelay $0x3  }
0x34: {  	[smem:$0x3FBB] =	sst s10  }
0x35: {  	s10 =	sld [smem:$0x3FBA];
	_ =	sdelay $0x3  }
0x36: {  	p1 =	seq.s32 s10, $0x1;
	s10 =	sld [smem:$0x3FBB];
	_ =	sdelay $0x3  }
0x37: {  	[smem:$0x3FBB] =	sst s10  }
0x38: {  	s10 =	sld [smem:$0x3FBC]  }
0x39: {  	_ = 	snop;
	(pc) =	sbr.ind lr, $3  }
0x3a: {  	_ = 	snop  }
0x3b: {  	_ = 	snop  }
0x3c: {  	p2 =	seq.s32 s10, $0x1;
	s10 =	sld [smem:$0x3FBB]  }
0x3d: {  	_ =	shalt  }
0x3e: {  	_ =	shalt  }
0x3f: {  	_ =	shalt  }
0x40: {  	_ =	shalt  }
0x41: {  	_ =	shalt  }
0x42: {  	_ =	shalt  }
0x43: {  	_ =	shalt  }
0x44: {  	_ =	shalt  }
0x45: {  	_ =	shalt  }
0x46: {  	_ =	shalt  }
0x47: {  	_ =	shalt  }
0x48: {  	_ =	shalt  }
0x49: {  	_ =	shalt  }
0x4a: {  	_ =	shalt  }
0x4b: {  	_ =	shalt  }
0x4c: {  	_ =	shalt  }
0x4d: {  	_ =	shalt  }
0x4e: {  	_ =	shalt  }
0x4f: {  	_ =	shalt  }
0x50: {  	_ =	shalt  }
0x51: {  	_ =	shalt  }
0x52: {  	_ =	shalt  }
0x53: {  	_ =	shalt  }
0x54: {  	_ =	shalt  }
0x55: {  	_ =	shalt  }
0x56: {  	_ =	shalt  }
0x57: {  	_ =	shalt  }
0x58: {  	_ =	shalt  }
0x59: {  	_ =	shalt  }
0x5a: {  	_ =	shalt  }
0x5b: {  	_ =	shalt  }
0x5c: {  	_ =	shalt  }
0x5d: {  	_ =	shalt  }
0x5e: {  	_ =	shalt  }
0x5f: {  	_ =	shalt  }
0x60: {  	_ =	shalt  }
0x61: {  	_ =	shalt  }
0x62: {  	_ =	shalt  }
0x63: {  	_ =	shalt  }
0x64: {  	_ =	shalt  }
0x65: {  	_ =	shalt  }
0x66: {  	_ =	shalt  }
0x67: {  	_ =	shalt  }
0x68: {  	_ =	shalt  }
0x69: {  	_ =	shalt  }
0x6a: {  	_ =	shalt  }
0x6b: {  	_ =	shalt  }
0x6c: {  	_ =	shalt  }
0x6d: {  	_ =	shalt  }
0x6e: {  	_ =	shalt  }
0x6f: {  	_ =	shalt  }
0x70: {  	_ =	shalt  }
0x71: {  	_ =	shalt  }
0x72: {  	_ =	shalt  }
0x73: {  	_ =	shalt  }
0x74: {  	_ =	shalt  }
0x75: {  	_ =	shalt  }
0x76: {  	_ =	shalt  }
0x77: {  	_ =	shalt  }
0x78: {  	_ =	shalt  }
0x79: {  	_ =	shalt  }
0x7a: {  	_ =	shalt  }
0x7b: {  	_ =	shalt  }
0x7c: {  	_ =	shalt  }
0x7d: {  	_ =	shalt  }
0x7e: {  	_ =	shalt  }
0x7f: {  	_ =	shalt  }
0x80: {  	_ =	shalt  }
0x81: {  	_ =	shalt  }
0x82: {  	_ =	shalt  }
0x83: {  	_ =	shalt  }
0x84: {  	_ =	shalt  }
0x85: {  	_ =	shalt  }
0x86: {  	_ =	shalt  }
0x87: {  	_ =	shalt  }
.Lfunc_end0:
.L_simem_size_0:
called_computation_lowered:
.L_overlay_start_0:
0x88: {  	s2 =	sld [smem:$0x3FD9]  }
0x89: {  	s3 =	sld [smem:$0x3FFE];
	_ =	sdelay $0x1  }
0x8a: {  	s1 =	srdreg.scid  }
0x8b: {  	s0 =	sand.u32 $0x1, s1  }
0x8c: {  	s16 =	sshll.u32 s0, $0xA;
	s2 =	sadd.s32 s3, s2  }
0x8d: {  	s2 =	sadd.s32 s2, s16  }
0x8e: {  	[smem:$0x3FC7] =	sst s2  }
0x8f: {  	_ = 	snop  }
0x90: {  	(tm) =	ssettm $0x1  }
0x91: {  	s17 =	sld [smem:$0x3FFB];
	_ =	sdelay $0x3  }
0x92: {  	_ =	strace s17  }
0x93: {  	s2 =	sld [smem:$0x3FFC];
	_ =	sdelay $0x3  }
0x94: {  	_ =	strace s2  }
0x95: {  	s2 =	sld [smem:$0x3FFD];
	_ =	sdelay $0x3  }
0x96: {  	_ =	strace s2  }
0x97: {  	_ =	strace $0x8FFFFFFF  }
0x98: {  	s18 =	sld [smem:$0x3FDB];
	_ =	sdelay $0x1  }
0x99: {  	s19 =	simm.s32 $_scs_section_size  }
0x9a: {  	s4 =	simm.s32 $_size__tile_overlayer_lowered;
	s5 =	simm.s32 $_tile_overlayer_lowered  }
0x9b: {  	s22 =	simm.s32 $0x1BFF;
	s21 =	sshll.u32 s5, $0x1;
	s2 =	sadd.s32 s19, s18  }
0x9c: {  	s6 =	simm.s32 $0x0;
	s20 =	sshll.u32 s4, $0x1;
	s4 =	sadd.s32 s21, s2  }
0x9d: {  	[timem:s6], [sflag:s22] =	dma.local [hbm:s4], s20  }
0x9e: {  	_ =	swait.ge [sflag:s22], s20  }
0x9f: {  	s3 =	ssub.s32 $0x0, s20;
	[sflag:s22] =	ssyncset.done $0x0  }
0xa0: {  	[sflag:s22] =	ssyncadd.s32 s3;
	_ =	sdelay $0x1  }
0xa1: {  	s23 =	simm.s32 $0x1B8B  }
0xa2: {  	_ =	swait.ge [sflag:s23], $0x1  }
0xa3: {  	[sflag:s23] =	ssyncset.done $0x0  }
0xa4: {  	s25 =	simm.s32 $0x1B8E;
	s24 =	sld [smem:$0x3FFE];
	[sflag:s23] =	ssyncadd.s32 $0xFFFFFFFF  }
0xa5: {  	s26 =	simm.s32 $execute0_lowered;
	[smem:$0x3FD2] =	sst s25  }
0xa6: {  	s4 =	sshll.u32 s26, $0x1;
	_ =	strace $0x80000046;
	[dreg:$0x1] =	wrdreg $0xFFFFFFFF  }
0xa7: {  	s28 =	simm.s32 $_size_execute0_lowered;
	s2 =	sadd.s32 s2, s4;
	[dreg:$0x0] =	wrdreg $0x0  }
0xa8: {  	s4 =	sshll.u32 s28, $0x1;
	[dreg:$0x2] =	wrdreg s2  }
0xa9: {  	[dreg:$0x3] =	wrdreg s4  }
0xaa: {  	[dreg:$0x4] =	wrdreg $0xC0  }
0xab: {  	_ =	task [dreg:s6], $0x5FFFF  }
0xac: {  	[dreg:$0x1] =	wrdreg $0xFFFFFFFF  }
0xad: {  	[dreg:$0x0] =	wrdreg $0x60  }
0xae: {  	[dreg:$0x2] =	wrdreg s24  }
0xaf: {  	[dreg:$0x3] =	wrdreg $0x9  }
0xb0: {  	_ =	task.clear_ibuf [dreg:s6], $0x4FFFF;
	_ =	strace $0x90000046  }
0xb1: {  	s29 =	simm.s32 $0x9;
	_ =	strace $0x80000048  }
0xb2: {  	_ =	swait.ge [sflag:s29], $0x1  }
0xb3: {  	[sflag:s29] =	ssyncadd.s32 $0xFFFFFFFF  }
0xb4: {  	_ =	strace $0x90000048  }
0xb5: {  	_ =	sfence  }
0xb6: {  	s30 =	sld [smem:$0x0];
	_ =	sdelay $0x2  }
0xb7: {  	s31 =	sshll.u32 s1, $0xD;
	s1 =	sshrl.u32 s1, $0x2  }
0xb8: {  	s3 =	sand.u32 $0x4000, s31;
	s1 =	sadd.s32 s1, s30  }
0xb9: {  	s0 =	sor.u32 s3, s0;
	s1 =	sshll.u32 s1, $0x11  }
0xba: {  	s0 =	sor.u32 s1, s0  }
0xbb: {  	s0 =	sadd.s32 $0x8F2B, s0  }
0xbc: {  	[sflag:s0] =	ssyncadd.remote.s32 $0x1  }
0xbd: {  	_ =	sfence.sel $0xFFFF  }
0xbe: {  	[dreg:$0x0] =	wrdreg $0xFFFFFFFF;
	(pc) =	sbr.abs _section_cstart, $3  }
0xbf: {  	[dreg:$0x1] =	wrdreg $0xFFFFFFFF  }
0xc0: {  	_ =	task.clear_ibuf [dreg:s6], $0x2FFFF;
	_ =	strace $0x9FFFFFFF  }
0xc1: {  	(tm) =	ssettm $0x7FFFFFFF  }
tec
execute0_lowered:
.L_overlay_start_1:
0x0: {  	(tag) =	ssettag $0x1  }
0x1: {  	s1 =	srdreg.scid;
	s0 =	stileid.u32  }
0x2: {  	s3 =	rddreg [dreg:$0x0];
	s8 =	simm.s32 $0x80;
	s9 =	simm.s32 $0x400  }
0x3: {  	s10 =	simm.s32 $0x2;
	s4 =	sand.u32 $0x1, s1;
	s2 =	sshll.u32 s0, $0x1  }
0x4: {  	s11 =	simm.s32 $0x0;
	s6 =	sshrl.u32 s0, $0x2;
	s5 =	sor.u32 s4, s2  }
0x5: {  	s1 =	rddreg [dreg:$0x1];
	s6 =	smul.u32 $0x13C00, s6;
	s7 =	sshll.u32 s5, $0x7  }
0x6: {  	s2 =	simm.s32 $0x0;
	s4 =	ssub.s32 $0x2, s4;
	s7 =	sand.u32 $0x380, s7  }
0x7: {  	[smem:$0x7FF] =	sst s2;
	s5 =	smul.u32 $0x2710, s5;
	s6 =	sor.u32 s6, s7  }
0x8: {  	s31 =	sshrl.u32 s4, $0x1;
	_ =	strace $0x80000047;
	s6 =	sshrl.u32 s6, $0x3  }
0x9: {  	s5 =	sshrl.u32 s5, $0x3;
	s7 =	ssub.s32 s4, s31;
	s6 =	sadd.s32 s6, s3  }
0xa: {  	s3 =	sadd.s32 s3, s5;
	s5 =	smax.u32 s7, $0x1;
	s7 =	simm.s32 $0x2780  }
0xb: {  	v0 =	vimm.f32 $0.0e+00;
	s3 =	sadd.s32 $0xA240, s3;
	s4 =	sadd.s32 $0x14000, s6;
	s6 =	simm.s32 $0x1  }
.LBB2_1:
0xc: {  	[tilespmem:s2], [sflag:$0x1] =	stream.linear.gather [hbm4b:s3+s2], $0x2710, $0x38;
	[tilespmem:$0x7680] =	vst v63  }
0xd: {  	s12 =	simm.s32 $0x0;
	s13 =	simm.s32 $0x200  }
.LBB2_2:
0xe: {  	p0 =	sne.s32 s13, $0x9A00;
	[tilespmem:s12+$0x27F0] =	vst v0  }
0xf: {  	[tilespmem:s12+$0x2780] =	vst v0  }
0x10: {  	[tilespmem:s12+$0x2790] =	vst v0  }
.Ltmp0:
0x11: {  	[tilespmem:s12+$0x27A0] =	vst v0;
	(pc) =	sbr.rel @p0 .LBB2_2-.Ltmp0, $4  }
0x12: {  	[tilespmem:s12+$0x27B0] =	vst v0  }
0x13: {  	[tilespmem:s12+$0x27C0] =	vst v0  }
0x14: {  	[tilespmem:s12+$0x27D0] =	vst v0  }
0x15: {  	[tilespmem:s12+$0x27E0] =	vst v0;
	s12 =	sshra.s32 s13, $0x2;
	s13 =	sadd.s32 $0x200, s13  }
0x16: {  	[tilespmem:s12+$0x27F0] =	vst v0  }
0x17: {  	[tilespmem:s12+$0x2780] =	vst v0  }
0x18: {  	[tilespmem:s12+$0x2790] =	vst v0  }
0x19: {  	[tilespmem:s12+$0x27A0] =	vst v0  }
0x1a: {  	[tilespmem:s12+$0x27B0] =	vst v0  }
0x1b: {  	[tilespmem:s12+$0x27C0] =	vst v0  }
0x1c: {  	[tilespmem:s12+$0x27D0] =	vst v0  }
0x1d: {  	[tilespmem:s12+$0x27E0] =	vst v0  }
0x1e: {  	[tilespmem:$0x4E80] =	vst v0  }
0x1f: {  	_ =	swait.ge [sflag:s6], $0x2710  }
0x20: {  	[sflag:s6] =	ssyncset.done $0x0  }
0x21: {  	s16 =	simm.s32 $0x0;
	[sflag:s6] =	ssyncadd.s32 $0xFFFFD8F0  }
0x22: {  	v1 =	vld [tilespmem:s16+$0x40];
	_ =	sdelay $0x1  }
0x23: {  	v2 =	vld [tilespmem:s16+$0x0]  }
0x24: {  	v3 =	vld [tilespmem:s16+$0x10]  }
0x25: {  	v4 =	vld [tilespmem:s16+$0x20]  }
0x26: {  	(xrf1) =	vunique.msk.u32 $0xffff, v1  }
0x27: {  	s15 =	simm.s32 $0x50;
	v1 =	vld [tilespmem:s16+$0x30]  }
0x28: {  	(xrf1) =	vunique.msk.u32 $0xffff, v2;
	v2 =	vld [tilespmem:s15+$0x40]  }
0x29: {  	(xrf1) =	vunique.msk.u32 $0xffff, v3;
	v3 =	vld [tilespmem:s15+$0x0]  }
0x2a: {  	(xrf1) =	vunique.msk.u32 $0xffff, v4;
	v4 =	vld [tilespmem:s15+$0x10]  }
0x2b: {  	v5 =	vld [tilespmem:s15+$0x20]  }
0x2c: {  	s13 =	simm.s32 $0xA0;
	(xrf1) =	vunique.msk.u32 $0xffff, v1;
	v1 =	vld [tilespmem:s15+$0x30]  }
0x2d: {  	(xrf1) =	vunique.msk.u32 $0xffff, v2;
	v2 =	vld [tilespmem:s13+$0x40]  }
0x2e: {  	(xrf1) =	vunique.msk.u32 $0xffff, v3;
	v3 =	vld [tilespmem:s13+$0x0]  }
0x2f: {  	(xrf1) =	vunique.msk.u32 $0xffff, v4;
	v4 =	vld [tilespmem:s13+$0x10]  }
0x30: {  	(xrf1) =	vunique.msk.u32 $0xffff, v5;
	v5 =	vld [tilespmem:s13+$0x20]  }
0x31: {  	v6 =	vld [tilespmem:s13+$0x30];
	(xrf1) =	vunique.msk.u32 $0xffff, v1  }
0x32: {  	(xrf1) =	vunique.msk.u32 $0xffff, v2  }
0x33: {  	(xrf1) =	vunique.msk.u32 $0xffff, v3  }
0x34: {  	_, v7, vm2 =	vpop (xrf1);
	(xrf1) =	vunique.msk.u32 $0xffff, v4  }
0x35: {  	(xrf1) =	vunique.msk.u32 $0xffff, v5  }
0x36: {  	v8 =	vcvt.s32.f32 v7;
	_, v7, vm1 =	vpop (xrf1);
	(xrf1) =	vunique.msk.u32 $0xffff, v6;
	_ =	sdelay $0x2  }
0x37: {  	s14 =	simm.s32 $0xF0  }
0x38: {  	v1 =	vld [tilespmem:s14+$0x40]  }
0x39: {  	v2 =	vld [tilespmem:s14+$0x0]  }
0x3a: {  	v3 =	vld [tilespmem:s14+$0x10]  }
0x3b: {  	v4 =	vld [tilespmem:s14+$0x20];
	_, v9, vm0 =	vpop (xrf1);
	v7 =	vcvt.s32.f32 v7  }
0x3c: {  	s12 =	simm.s32 $0x0;
	s17 =	simm.s32 $0x500;
	v5 =	vld [tilespmem:s14+$0x30];
	v6 =	vcvt.s32.f32 v9;
	v8 =	vnsel vm2, $0x0, v8;
	_, v9, vm2 =	vpop (xrf1)  }
.LBB2_4:
0x3d: {  	s18 =	sshra.s32 s17, $0x2;
	p0 =	sne.s32 s17, $0x9B00;
	s17 =	sadd.s32 $0x140, s17;
	(xrf1) =	vunique.msk.u32 $0xffff, v1;
	v7 =	vnsel vm1, $0x0, v7;
	v10 =	vcvt.s32.f32 v9;
	[tilespmem:s16+$0x4F40] =	vst v8;
	_, v8, vm3 =	vpop (xrf1)  }
.Ltmp1:
0x3e: {  	v1 =	vld [tilespmem:s18+$0x40];
	(xrf1) =	vunique.msk.u32 $0xffff, v2;
	[tilespmem:s16+$0x4F00] =	vst v7;
	v6 =	vnsel vm0, $0x0, v6;
	v7 =	vcvt.s32.f32 v8;
	(pc) =	sbr.rel @p0 .LBB2_4-.Ltmp1, $4  }
0x3f: {  	v2 =	vld [tilespmem:s18+$0x0];
	(xrf1) =	vunique.msk.u32 $0xffff, v3;
	_, v8, vm4 =	vpop (xrf1);
	[tilespmem:s16+$0x4F10] =	vst v6;
	v6 =	vnsel vm2, $0x0, v10  }
0x40: {  	v3 =	vld [tilespmem:s18+$0x10];
	(xrf1) =	vunique.msk.u32 $0xffff, v4;
	v8 =	vcvt.s32.f32 v8;
	_, v9, vm1 =	vpop (xrf1);
	[tilespmem:s16+$0x4F20] =	vst v6;
	v6 =	vnsel vm3, $0x0, v7  }
0x41: {  	v4 =	vld [tilespmem:s18+$0x20];
	(xrf1) =	vunique.msk.u32 $0xffff, v5;
	v7 =	vcvt.s32.f32 v9;
	_, v9, vm0 =	vpop (xrf1);
	[tilespmem:s16+$0x4F30] =	vst v6;
	s16 =	smov.u32 s15;
	s15 =	smov.u32 s13;
	s13 =	smov.u32 s14  }
0x42: {  	s14 =	smov.u32 s18;
	v5 =	vld [tilespmem:s18+$0x30];
	v6 =	vcvt.s32.f32 v9;
	v8 =	vnsel vm4, $0x0, v8;
	_, v9, vm2 =	vpop (xrf1)  }
0x43: {  	(xrf1) =	vunique.msk.u32 $0xffff, v1  }
0x44: {  	(xrf1) =	vunique.msk.u32 $0xffff, v2  }
0x45: {  	v1 =	vnsel vm1, $0x0, v7;
	v2 =	vcvt.s32.f32 v9;
	(xrf1) =	vunique.msk.u32 $0xffff, v3;
	_, v3, vm14 =	vpop (xrf1)  }
0x46: {  	[tilespmem:s16+$0x4F00] =	vst v1;
	v1 =	vnsel vm0, $0x0, v6;
	v3 =	vcvt.s32.f32 v3;
	_, v56, vm15 =	vpop (xrf1)  }
0x47: {  	[tilespmem:s16+$0x4F10] =	vst v1;
	v2 =	vnsel vm2, $0x0, v2;
	_, v57, vm4 =	vpop (xrf1);
	v1 =	vcvt.s32.f32 v56  }
0x48: {  	[tilespmem:s16+$0x4F20] =	vst v2;
	v2 =	vnsel vm14, $0x0, v3;
	v3 =	vcvt.s32.f32 v57  }
0x49: {  	v1 =	vnsel vm15, $0x0, v1  }
0x4a: {  	v3 =	vnsel vm4, $0x0, v3  }
0x4b: {  	[tilespmem:s16+$0x4F40] =	vst v8;
	_, v58, vm5 =	vpop (xrf1)  }
0x4c: {  	[tilespmem:s16+$0x4F30] =	vst v2;
	_, v59, vm6 =	vpop (xrf1)  }
0x4d: {  	(xrf1) =	vunique.msk.u32 $0xffff, v4;
	v4 =	vcvt.s32.f32 v59;
	[tilespmem:s15+$0x4F40] =	vst v1;
	_, v1, vm7 =	vpop (xrf1)  }
0x4e: {  	[tilespmem:s15+$0x4F00] =	vst v3;
	_, v3, vm8 =	vpop (xrf1)  }
0x4f: {  	(xrf1) =	vunique.msk.u32 $0xffff, v5;
	v2 =	vcvt.s32.f32 v58;
	v3 =	vcvt.s32.f32 v3;
	_ =	sdelay $0x1  }
0x50: {  	v2 =	vnsel vm5, $0x0, v2;
	v1 =	vcvt.s32.f32 v1;
	v3 =	vnsel vm8, $0x0, v3  }
0x51: {  	[tilespmem:s15+$0x4F10] =	vst v2;
	v2 =	vnsel vm6, $0x0, v4;
	_, v4, vm0 =	vpop (xrf1)  }
0x52: {  	[tilespmem:s15+$0x4F20] =	vst v2;
	v1 =	vnsel vm7, $0x0, v1;
	v2 =	vcvt.s32.f32 v4;
	_, v60, vm9 =	vpop (xrf1)  }
0x53: {  	[tilespmem:s15+$0x4F30] =	vst v1;
	_, v61, vm10 =	vpop (xrf1)  }
0x54: {  	v2 =	vnsel vm0, $0x0, v2;
	v4 =	vcvt.s32.f32 v61;
	[tilespmem:s13+$0x4F40] =	vst v3;
	_, v3, vm11 =	vpop (xrf1)  }
0x55: {  	[tilespmem:s13+$0x4F00] =	vst v2;
	v2 =	vcvt.s32.f32 v3;
	_, v3, vm12 =	vpop (xrf1)  }
0x56: {  	v1 =	vcvt.s32.f32 v60;
	v3 =	vcvt.s32.f32 v3;
	_ =	sdelay $0x1  }
0x57: {  	v1 =	vnsel vm9, $0x0, v1;
	v3 =	vnsel vm12, $0x0, v3  }
0x58: {  	[tilespmem:s13+$0x4F10] =	vst v1;
	v1 =	vnsel vm10, $0x0, v4;
	_, v4, vm1 =	vpop (xrf1)  }
0x59: {  	[tilespmem:s13+$0x4F20] =	vst v1;
	v1 =	vnsel vm11, $0x0, v2;
	v2 =	vcvt.s32.f32 v4;
	_, v62, vm13 =	vpop (xrf1)  }
0x5a: {  	[tilespmem:s13+$0x4F30] =	vst v1;
	v1 =	vcvt.s32.f32 v62;
	_, v63, vm14 =	vpop (xrf1)  }
0x5b: {  	v2 =	vnsel vm1, $0x0, v2;
	v4 =	vcvt.s32.f32 v63;
	[tilespmem:s14+$0x4F40] =	vst v3;
	_, v3, vm15 =	vpop (xrf1)  }
0x5c: {  	[tilespmem:s14+$0x4F00] =	vst v2;
	v1 =	vnsel vm13, $0x0, v1;
	v2 =	vcvt.s32.f32 v3  }
0x5d: {  	[tilespmem:s14+$0x4F10] =	vst v1;
	v1 =	vnsel vm14, $0x0, v4  }
0x5e: {  	[tilespmem:s14+$0x4F20] =	vst v1;
	v1 =	vnsel vm15, $0x0, v2  }
0x5f: {  	[tilespmem:s14+$0x4F30] =	vst v1  }
.LBB2_6:
0x60: {  	s13 =	sshra.s32 s12, $0x2  }
0x61: {  	v1 =	vld [tilespmem:s13+$0x4F00];
	_ =	sdelay $0x2  }
0x62: {  	v2 =	vld [tilespmem:s13+$0x0];
	_ =	sdelay $0x1  }
0x63: {  	vm0 =	vgt.f32 v1, $5.000000000e-01;
	_ =	sdelay $0x5  }
0x64: {  	[tilespmem:v2+s7+$0x0] =	vst.idx.add.f32.msk vm0, v1  }
0x65: {  	v1 =	vld [tilespmem:s13+$0x4F10];
	_ =	sdelay $0x2  }
0x66: {  	v2 =	vld [tilespmem:s13+$0x10];
	_ =	sdelay $0x1  }
0x67: {  	vm13 =	vgt.f32 v1, $5.000000000e-01;
	_ =	sdelay $0x5  }
0x68: {  	[tilespmem:v2+s7+$0x0] =	vst.idx.add.f32.msk vm13, v1  }
0x69: {  	v1 =	vld [tilespmem:s13+$0x4F20];
	_ =	sdelay $0x2  }
0x6a: {  	v2 =	vld [tilespmem:s13+$0x20];
	_ =	sdelay $0x1  }
0x6b: {  	vm14 =	vgt.f32 v1, $5.000000000e-01;
	_ =	sdelay $0x5  }
0x6c: {  	[tilespmem:v2+s7+$0x0] =	vst.idx.add.f32.msk vm14, v1  }
0x6d: {  	v1 =	vld [tilespmem:s13+$0x4F30];
	_ =	sdelay $0x2  }
0x6e: {  	v2 =	vld [tilespmem:s13+$0x30];
	_ =	sdelay $0x1  }
0x6f: {  	vm15 =	vgt.f32 v1, $5.000000000e-01;
	_ =	sdelay $0x5  }
0x70: {  	[tilespmem:v2+s7+$0x0] =	vst.idx.add.f32.msk vm15, v1  }
0x71: {  	v1 =	vld [tilespmem:s13+$0x4F40];
	_ =	sdelay $0x2  }
0x72: {  	v2 =	vld [tilespmem:s13+$0x40];
	_ =	sdelay $0x1  }
0x73: {  	vm4 =	vgt.f32 v1, $5.000000000e-01;
	_ =	sdelay $0x5  }
0x74: {  	[tilespmem:v2+s7+$0x0] =	vst.idx.add.f32.msk vm4, v1  }
0x75: {  	v1 =	vld [tilespmem:s13+$0x4F50];
	_ =	sdelay $0x2  }
0x76: {  	v2 =	vld [tilespmem:s13+$0x50];
	_ =	sdelay $0x1  }
0x77: {  	vm5 =	vgt.f32 v1, $5.000000000e-01;
	_ =	sdelay $0x5  }
0x78: {  	[tilespmem:v2+s7+$0x0] =	vst.idx.add.f32.msk vm5, v1  }
0x79: {  	v1 =	vld [tilespmem:s13+$0x4F60];
	_ =	sdelay $0x2  }
0x7a: {  	v2 =	vld [tilespmem:s13+$0x60];
	_ =	sdelay $0x1  }
0x7b: {  	vm6 =	vgt.f32 v1, $5.000000000e-01;
	_ =	sdelay $0x5  }
0x7c: {  	[tilespmem:v2+s7+$0x0] =	vst.idx.add.f32.msk vm6, v1  }
0x7d: {  	v1 =	vld [tilespmem:s13+$0x4F70];
	_ =	sdelay $0x2  }
0x7e: {  	v2 =	vld [tilespmem:s13+$0x70];
	_ =	sdelay $0x1  }
0x7f: {  	vm7 =	vgt.f32 v1, $5.000000000e-01;
	_ =	sdelay $0x5  }
0x80: {  	[tilespmem:v2+s7+$0x0] =	vst.idx.add.f32.msk vm7, v1  }
0x81: {  	v1 =	vld [tilespmem:s13+$0x4F80];
	_ =	sdelay $0x2  }
0x82: {  	v2 =	vld [tilespmem:s13+$0x80];
	_ =	sdelay $0x1  }
0x83: {  	vm8 =	vgt.f32 v1, $5.000000000e-01;
	_ =	sdelay $0x5  }
0x84: {  	[tilespmem:v2+s7+$0x0] =	vst.idx.add.f32.msk vm8, v1  }
0x85: {  	v1 =	vld [tilespmem:s13+$0x4F90];
	_ =	sdelay $0x2  }
0x86: {  	v2 =	vld [tilespmem:s13+$0x90];
	_ =	sdelay $0x1  }
0x87: {  	vm9 =	vgt.f32 v1, $5.000000000e-01;
	_ =	sdelay $0x5  }
0x88: {  	[tilespmem:v2+s7+$0x0] =	vst.idx.add.f32.msk vm9, v1  }
0x89: {  	v1 =	vld [tilespmem:s13+$0x4FA0];
	_ =	sdelay $0x2  }
0x8a: {  	v2 =	vld [tilespmem:s13+$0xA0];
	_ =	sdelay $0x1  }
0x8b: {  	vm10 =	vgt.f32 v1, $5.000000000e-01;
	_ =	sdelay $0x5  }
0x8c: {  	[tilespmem:v2+s7+$0x0] =	vst.idx.add.f32.msk vm10, v1  }
0x8d: {  	v1 =	vld [tilespmem:s13+$0x4FB0];
	_ =	sdelay $0x2  }
0x8e: {  	v2 =	vld [tilespmem:s13+$0xB0];
	_ =	sdelay $0x1  }
0x8f: {  	vm11 =	vgt.f32 v1, $5.000000000e-01;
	_ =	sdelay $0x5  }
0x90: {  	[tilespmem:v2+s7+$0x0] =	vst.idx.add.f32.msk vm11, v1  }
0x91: {  	v1 =	vld [tilespmem:s13+$0x4FC0];
	_ =	sdelay $0x2  }
0x92: {  	v2 =	vld [tilespmem:s13+$0xC0];
	_ =	sdelay $0x1  }
0x93: {  	vm12 =	vgt.f32 v1, $5.000000000e-01;
	_ =	sdelay $0x5  }
0x94: {  	[tilespmem:v2+s7+$0x0] =	vst.idx.add.f32.msk vm12, v1  }
0x95: {  	v1 =	vld [tilespmem:s13+$0x4FD0];
	_ =	sdelay $0x2  }
0x96: {  	v2 =	vld [tilespmem:s13+$0xD0];
	_ =	sdelay $0x1  }
0x97: {  	vm13 =	vgt.f32 v1, $5.000000000e-01;
	_ =	sdelay $0x5  }
0x98: {  	[tilespmem:v2+s7+$0x0] =	vst.idx.add.f32.msk vm13, v1  }
0x99: {  	v1 =	vld [tilespmem:s13+$0x4FE0];
	_ =	sdelay $0x2  }
0x9a: {  	v2 =	vld [tilespmem:s13+$0xE0];
	_ =	sdelay $0x1  }
0x9b: {  	vm14 =	vgt.f32 v1, $5.000000000e-01;
	_ =	sdelay $0x5  }
0x9c: {  	[tilespmem:v2+s7+$0x0] =	vst.idx.add.f32.msk vm14, v1  }
0x9d: {  	v1 =	vld [tilespmem:s13+$0x4FF0];
	_ =	sdelay $0x2  }
0x9e: {  	v2 =	vld [tilespmem:s13+$0xF0];
	_ =	sdelay $0x1  }
0x9f: {  	vm15 =	vgt.f32 v1, $5.000000000e-01  }
0xa0: {  	p0 =	sne.s32 s12, $0x9800  }
.Ltmp2:
0xa1: {  	_ = 	snop;
	(pc) =	sbr.rel @p0 .LBB2_6-.Ltmp2, $2  }
0xa2: {  	_ =	sdelay $0x2  }
0xa3: {  	s12 =	sadd.s32 $0x400, s12;
	[tilespmem:v2+s7+$0x0] =	vst.idx.add.f32.msk vm15, v1  }
0xa4: {  	v1 =	vld [tilespmem:$0x7600];
	_ =	sdelay $0x2  }
0xa5: {  	v2 =	vld [tilespmem:$0x2700];
	_ =	sdelay $0x1  }
0xa6: {  	vm0 =	vgt.f32 v1, $5.000000000e-01;
	_ =	sdelay $0x3  }
0xa7: {  	s11 =	sadd.s32 $0x1, s11  }
0xa8: {  	p0 =	sne.s32 s11, s5  }
.Ltmp3:
0xa9: {  	[tilespmem:v2+s7+$0x0] =	vst.idx.add.f32.msk vm0, v1;
	(pc) =	sbr.rel @p0 .LBB2_1-.Ltmp3, $4  }
0xaa: {  	[hbm4b:s4+s8] =	stream.strided.scatter [tilespmem:s7], [sflag:$0x2], $0x2780, s9, s8, $0x38;
	[tilespmem:$0x7680] =	vst v63  }
0xab: {  	_ =	swait.ge [sflag:s10], $0x2780  }
0xac: {  	[sflag:s10] =	ssyncset.done $0x0  }
0xad: {  	[sflag:s10] =	ssyncadd.s32 $0xFFFFD880  }
0xae: {  	_ =	sfence.sel $0x180000  }
0xaf: {  	[bflag:$0x0] =	sbarrier.arrive $0xFFFF  }
0xb0: {  	p0 =	sne.s32 s0, $0x0;
	_ =	strace $0x90000047  }
0xb1: {  	s0 =	sadd.s32 @!p0 $0x100000, s1;
	[bflag:$0x2] =	sbarrier.arrive $0xFFFF  }
0xb2: {  	[sflag:s0] =	ssyncadd.tile.s32 @!p0 $0x1;
	_ =	shalt  }
.Lfunc_end2:
_tile_overlayer_lowered:
.L_overlay_start_2:
0xb3: {  	(tag) =	ssettag $0x2  }
0xb4: {  	s0 =	rddreg [dreg:$0x0];
	s2 =	stileid.u32  }
0xb5: {  	s1 =	rddreg [dreg:$0x1];
	p0 =	sne.s32 s2, $0x0  }
0xb6: {  	s3 =	rddreg [dreg:$0x2];
	[bflag:$0x3] =	sbarrier.arrive $0xFFFF;
	s2 =	simm.s32 @!p0 $0x1C02  }
0xb7: {  	[timem:s3], [sflag:s2] =	dma.local @!p0 [hbm:s0], s1  }
0xb8: {  	s0 =	simm.s32 @!p0 $0x2  }
0xb9: {  	_ =	swait.ge @!p0 [sflag:s0], s1  }
0xba: {  	s1 =	ssub.s32 @!p0 $0x0, s1;
	[sflag:s0] =	ssyncset.done @!p0 $0x0  }
0xbb: {  	[sflag:s0] =	ssyncadd.s32 @!p0 s1  }
0xbc: {  	[bflag:$0x3] =	sbarrier.arrive $0xFFFF  }
0xbd: {  	_ =	shalt  }

</sc_bundles>
